<compile_context>
chip_gen: v7x
topology: tpu7x:2x2x1
jax: 0.10.2.dev20260603
libtpu: 0.0.44.dev20260713+nightly
codegen_flags: <defaults>
</compile_context>

<pallas_src>
import functools

import jax
import jax.numpy as jnp
from jax import lax
from jax.experimental import pallas as pl
from jax.experimental.pallas import tpu as pltpu
from jax.experimental.pallas import tpu_sc as plsc

_C = 40
_NBUF = 2


def _gather_rows(table, idx3, B, D):
    info = plsc.get_sparse_core_info()
    NW = info.num_cores * info.num_subcores
    b_per_w = B // NW
    C = _C
    n_chunks = b_per_w // C
    assert b_per_w % C == 0 and n_chunks % _NBUF == 0

    mesh = plsc.VectorSubcoreMesh(core_axis_name="c", subcore_axis_name="s")

    @functools.partial(
        pl.kernel,
        mesh=mesh,
        out_type=jax.ShapeDtypeStruct((B, D), jnp.float32),
        scratch_types=[
            pltpu.VMEM((n_chunks, C), jnp.int32),
            *[pltpu.VMEM((C, D), jnp.float32) for _ in range(_NBUF)],
            *[pltpu.SemaphoreType.DMA for _ in range(2 * _NBUF)],
        ],
    )
    def k(idx_hbm, table_hbm, out_hbm, idx_v, *bufs_and_sems):
        rows = bufs_and_sems[:_NBUF]
        gsem = bufs_and_sems[_NBUF : 2 * _NBUF]
        osem = bufs_and_sems[2 * _NBUF :]
        wid = lax.axis_index("s") * info.num_cores + lax.axis_index("c")
        base = pl.multiple_of(wid * b_per_w, b_per_w)

        pltpu.sync_copy(idx_hbm.at[wid], idx_v)
        pltpu.async_copy(table_hbm.at[idx_v.at[0]], rows[0], gsem[0])

        def body(g, carry):
            for b in range(_NBUF):
                j = g * _NBUF + b
                pltpu.make_async_copy(
                    table_hbm.at[idx_v.at[j]], rows[b], gsem[b]
                ).wait()
                pltpu.async_copy(
                    rows[b], out_hbm.at[pl.ds(base + j * C, C)], osem[b]
                )
                jn = jnp.minimum(j + 1, n_chunks - 1)
                nb = (b + 1) % _NBUF

                @pl.when(jnp.logical_or(g > 0, b >= _NBUF - 1))
                def _wait_prev_out():
                    pltpu.make_async_copy(
                        rows[nb], out_hbm.at[pl.ds(base, C)], osem[nb]
                    ).wait()

                pltpu.async_copy(
                    table_hbm.at[idx_v.at[jn]], rows[nb], gsem[nb]
                )
            return carry

        lax.fori_loop(0, n_chunks // _NBUF, body, 0)
        pltpu.make_async_copy(
            table_hbm.at[idx_v.at[0]], rows[0], gsem[0]
        ).wait()
        for b in range(1, _NBUF):
            pltpu.make_async_copy(
                rows[b], out_hbm.at[pl.ds(base, C)], osem[b]
            ).wait()

    return k(idx3, table)


def kernel(indices, emb_weight):
    Bo, S = indices.shape
    V, D = emb_weight.shape
    B = Bo * S
    info = plsc.get_sparse_core_info()
    NW = info.num_cores * info.num_subcores
    idx3 = indices.reshape(NW, (B // NW) // _C, _C).astype(jnp.int32)
    out = _gather_rows(emb_weight, idx3, B, D)
    return out.reshape(Bo, S, D)

# --- scband reference (transcript-rebuilt; emitter-appended) ---
"""Pipeline reference for scband-prompt-tuning-embedding-120259084776 (READ-ONLY COPY).

The authoritative reference and input builder live on the scoring server;
editing this copy changes nothing except your own understanding.
"""

import jax, jax.numpy as jnp
import numpy as np

TOTAL_VIRTUAL_TOKENS = 1024  # 512 * 2
TOKEN_DIM = 1024

def setup_inputs(seed: int = 0) -> dict:
    key = jax.random.key(seed)
    k1, k2 = jax.random.split(key)
    indices = jax.random.randint(k1, (4096, 50), 0, TOTAL_VIRTUAL_TOKENS, dtype=jnp.int64) if jax.config.jax_enable_x64 else jax.random.randint(k1, (4096, 50), 0, TOTAL_VIRTUAL_TOKENS, dtype=jnp.int32)
    emb_weight = jax.random.normal(k2, (TOTAL_VIRTUAL_TOKENS, TOKEN_DIM), dtype=jnp.float32)
    return {"indices": indices, "emb_weight": emb_weight}

def reference(indices, emb_weight):
    # PromptTuningEmbedding.forward: prompt_embeddings = self.embedding(indices)
    prompt_embeddings = jnp.take(emb_weight, indices, axis=0)
    return prompt_embeddings

if __name__ == "__main__":
    import jax
    _d = setup_inputs()
    print(jax.jit(kernel)(*tuple(_d.values())))

</pallas_src>

<mosaic_0001>
#map = affine_map<(d0, d1) -> (0, 0, 0)>
#map1 = affine_map<(d0, d1) -> (0, 0)>
module attributes {stable_mosaic.version = 14 : i64} {
  func.func @k(%arg0: i32, %arg1: i32, %arg2: memref<32x160x40xi32, #tpu.memory_space<hbm>>, %arg3: memref<1024x1024xf32, #tpu.memory_space<hbm>>, %arg4: memref<204800x1024xf32, #tpu.memory_space<hbm>>, %arg5: memref<160x40xi32, #tpu.memory_space<vmem>>, %arg6: memref<40x1024xf32, #tpu.memory_space<vmem>>, %arg7: memref<40x1024xf32, #tpu.memory_space<vmem>>, %arg8: memref<!tpu.dma_semaphore, #tpu.memory_space<semaphore_mem>>, %arg9: memref<!tpu.dma_semaphore, #tpu.memory_space<semaphore_mem>>, %arg10: memref<!tpu.dma_semaphore, #tpu.memory_space<semaphore_mem>>, %arg11: memref<!tpu.dma_semaphore, #tpu.memory_space<semaphore_mem>>) attributes {dimension_semantics = [#tpu.dimension_semantics<core_parallel>, #tpu.dimension_semantics<subcore_parallel>], iteration_bounds = array<i64: 2, 16>, scalar_prefetch = 0 : i64, scratch_operands = 7 : i64, tpu.core_type = #tpu.core_type<sc_vector_subcore>, window_params = [{transform_indices = #map}, {transform_indices = #map1}, {transform_indices = #map1}]} {
    %mul3A = arith.constant 2 : i32
    %mul3A_0 = arith.muli %arg1, %mul3A : i32
    %add3A = arith.addi %mul3A_0, %arg0 : i32
    %mul3A_1 = arith.constant 6400 : i32
    %mul3A_2 = arith.muli %add3A, %mul3A_1 : i32
    %multiple_of3A = tpu.assume_multiple %mul3A_2, 6400 : i32
    "tpu.region"() ({
      %run_scoped3A = tpu.sem_alloc : memref<!tpu.dma_semaphore, #tpu.memory_space<semaphore_mem>>
      %dma_start3A_24 = arith.constant 0 : i32
      %dma_start3A_25 = arith.constant 0 : i32
      %dma_start3A_26 = tpu.memref_slice %arg2[%add3A, %dma_start3A_24, %dma_start3A_25] : memref<32x160x40xi32, #tpu.memory_space<hbm>> -> memref<1x160x40xi32, #tpu.memory_space<hbm>>
      %dma_start3A_27 = tpu.memref_squeeze %dma_start3A_26 : memref<1x160x40xi32, #tpu.memory_space<hbm>> -> memref<160x40xi32, #tpu.memory_space<hbm>>
      %dma_start3A_28 = arith.constant 0 : i32
      %dma_start3A_29 = arith.constant 0 : i32
      %dma_start3A_30 = tpu.memref_slice %arg2[%add3A, %dma_start3A_28, %dma_start3A_29] : memref<32x160x40xi32, #tpu.memory_space<hbm>> -> memref<1x160x40xi32, #tpu.memory_space<hbm>>
      %dma_start3A_31 = tpu.memref_squeeze %dma_start3A_30 : memref<1x160x40xi32, #tpu.memory_space<hbm>> -> memref<160x40xi32, #tpu.memory_space<hbm>>
      tpu.enqueue_dma source(%dma_start3A_31 : memref<160x40xi32, #tpu.memory_space<hbm>>) target(%arg5 : memref<160x40xi32, #tpu.memory_space<vmem>>) target_semaphore(%run_scoped3A : memref<!tpu.dma_semaphore, #tpu.memory_space<semaphore_mem>>)
      %dma_wait3A_32 = arith.constant 0 : i32
      %dma_wait3A_33 = arith.constant 0 : i32
      %dma_wait3A_34 = tpu.memref_slice %arg2[%add3A, %dma_wait3A_32, %dma_wait3A_33] : memref<32x160x40xi32, #tpu.memory_space<hbm>> -> memref<1x160x40xi32, #tpu.memory_space<hbm>>
      %dma_wait3A_35 = tpu.memref_squeeze %dma_wait3A_34 : memref<1x160x40xi32, #tpu.memory_space<hbm>> -> memref<160x40xi32, #tpu.memory_space<hbm>>
      %dma_wait3A_36 = arith.constant 0 : i32
      %dma_wait3A_37 = arith.constant 0 : i32
      %dma_wait3A_38 = tpu.memref_slice %arg2[%add3A, %dma_wait3A_36, %dma_wait3A_37] : memref<32x160x40xi32, #tpu.memory_space<hbm>> -> memref<1x160x40xi32, #tpu.memory_space<hbm>>
      %dma_wait3A_39 = tpu.memref_squeeze %dma_wait3A_38 : memref<1x160x40xi32, #tpu.memory_space<hbm>> -> memref<160x40xi32, #tpu.memory_space<hbm>>
      tpu.wait_dma2 semaphore(%run_scoped3A : memref<!tpu.dma_semaphore, #tpu.memory_space<semaphore_mem>>) src(%dma_wait3A_39 : memref<160x40xi32, #tpu.memory_space<hbm>>) dst(%arg5 : memref<160x40xi32, #tpu.memory_space<vmem>>)
      tpu.yield
    }) : () -> ()
    %dma_start3A = arith.constant 0 : i32
    %dma_start3A_3 = arith.constant 0 : i32
    %dma_start3A_4 = tpu.memref_slice %arg5[%dma_start3A, %dma_start3A_3] : memref<160x40xi32, #tpu.memory_space<vmem>> -> memref<1x40xi32, #tpu.memory_space<vmem>>
    %dma_start3A_5 = tpu.memref_squeeze %dma_start3A_4 : memref<1x40xi32, #tpu.memory_space<vmem>> -> memref<40xi32, #tpu.memory_space<vmem>>
    %dma_start3A_6 = arith.constant 0 : i32
    %dma_start3A_7 = arith.constant 0 : i32
    %dma_start3A_8 = tpu.memref_slice %arg3[%dma_start3A_6, %dma_start3A_7] : memref<1024x1024xf32, #tpu.memory_space<hbm>> -> memref<1024x1024xf32, #tpu.memory_space<hbm>>
    tpu.enqueue_indirect_dma source(%dma_start3A_8 : memref<1024x1024xf32, #tpu.memory_space<hbm>>) target(%arg6 : memref<40x1024xf32, #tpu.memory_space<vmem>>) offsets(%dma_start3A_5 : memref<40xi32, #tpu.memory_space<vmem>>) semaphore(%arg8 : memref<!tpu.dma_semaphore, #tpu.memory_space<semaphore_mem>>)
    %scan3A = arith.constant 0 : i32
    %scan3A_9 = arith.constant 0 : i32
    %scan3A_10 = arith.constant 80 : i32
    %scan3A_11 = arith.addi %scan3A_9, %scan3A_10 : i32
    %scan3A_12 = arith.constant 1 : i32
    scf.for %scan3A_24 = %scan3A_9 to %scan3A_11 step %scan3A_12  : i32 {
      %mul3A_25 = arith.constant 2 : i32
      %mul3A_26 = arith.muli %scan3A_24, %mul3A_25 : i32
      %add3A_27 = arith.constant 0 : i32
      %add3A_28 = arith.addi %mul3A_26, %add3A_27 : i32
      %dma_wait3A_29 = arith.constant 0 : i32
      %dma_wait3A_30 = tpu.memref_slice %arg5[%add3A_28, %dma_wait3A_29] : memref<160x40xi32, #tpu.memory_space<vmem>> -> memref<1x40xi32, #tpu.memory_space<vmem>>
      %dma_wait3A_31 = tpu.memref_squeeze %dma_wait3A_30 : memref<1x40xi32, #tpu.memory_space<vmem>> -> memref<40xi32, #tpu.memory_space<vmem>>
      %dma_wait3A_32 = arith.constant 0 : i32
      %dma_wait3A_33 = arith.constant 0 : i32
      %dma_wait3A_34 = tpu.memref_slice %arg3[%dma_wait3A_32, %dma_wait3A_33] : memref<1024x1024xf32, #tpu.memory_space<hbm>> -> memref<1024x1024xf32, #tpu.memory_space<hbm>>
      tpu.wait_indirect_dma semaphore(%arg8 : memref<!tpu.dma_semaphore, #tpu.memory_space<semaphore_mem>>) src(%dma_wait3A_34 : memref<1024x1024xf32, #tpu.memory_space<hbm>>) dst(%arg6 : memref<40x1024xf32, #tpu.memory_space<vmem>>)
      %mul3A_35 = arith.constant 40 : i32
      %mul3A_36 = arith.muli %add3A_28, %mul3A_35 : i32
      %add3A_37 = arith.addi %multiple_of3A, %mul3A_36 : i32
      %dma_start3A_38 = arith.constant 0 : i32
      %dma_start3A_39 = tpu.memref_slice %arg4[%add3A_37, %dma_start3A_38] : memref<204800x1024xf32, #tpu.memory_space<hbm>> -> memref<40x1024xf32, #tpu.memory_space<hbm>>
      %dma_start3A_40 = arith.constant 0 : i32
      %dma_start3A_41 = tpu.memref_slice %arg4[%add3A_37, %dma_start3A_40] : memref<204800x1024xf32, #tpu.memory_space<hbm>> -> memref<40x1024xf32, #tpu.memory_space<hbm>>
      tpu.enqueue_dma source(%arg6 : memref<40x1024xf32, #tpu.memory_space<vmem>>) target(%dma_start3A_41 : memref<40x1024xf32, #tpu.memory_space<hbm>>) target_semaphore(%arg10 : memref<!tpu.dma_semaphore, #tpu.memory_space<semaphore_mem>>)
      %add3A_42 = arith.constant 1 : i32
      %add3A_43 = arith.addi %add3A_28, %add3A_42 : i32
      %min3A = arith.constant 159 : i32
      %min3A_44 = arith.minsi %add3A_43, %min3A : i32
      %gt3A = arith.constant 0 : i32
      %gt3A_45 = arith.cmpi sgt, %scan3A_24, %gt3A : i32
      %or3A = arith.constant false
      %or3A_46 = arith.ori %gt3A_45, %or3A : i1
      %convert_element_type3A = arith.extui %or3A_46 : i1 to i32
      %cond3A = arith.constant 0 : i32
      %cond3A_47 = arith.cmpi ne, %convert_element_type3A, %cond3A : i32
      scf.if %cond3A_47 {
        %dma_wait3A_88 = arith.constant 0 : i32
        %dma_wait3A_89 = tpu.memref_slice %arg4[%multiple_of3A, %dma_wait3A_88] : memref<204800x1024xf32, #tpu.memory_space<hbm>> -> memref<40x1024xf32, #tpu.memory_space<hbm>>
        %dma_wait3A_90 = arith.constant 0 : i32
        %dma_wait3A_91 = tpu.memref_slice %arg4[%multiple_of3A, %dma_wait3A_90] : memref<204800x1024xf32, #tpu.memory_space<hbm>> -> memref<40x1024xf32, #tpu.memory_space<hbm>>
        tpu.wait_dma2 semaphore(%arg11 : memref<!tpu.dma_semaphore, #tpu.memory_space<semaphore_mem>>) src(%arg7 : memref<40x1024xf32, #tpu.memory_space<vmem>>) dst(%dma_wait3A_91 : memref<40x1024xf32, #tpu.memory_space<hbm>>)
      } else {
      }
      %dma_start3A_48 = arith.constant 0 : i32
      %dma_start3A_49 = tpu.memref_slice %arg5[%min3A_44, %dma_start3A_48] : memref<160x40xi32, #tpu.memory_space<vmem>> -> memref<1x40xi32, #tpu.memory_space<vmem>>
      %dma_start3A_50 = tpu.memref_squeeze %dma_start3A_49 : memref<1x40xi32, #tpu.memory_space<vmem>> -> memref<40xi32, #tpu.memory_space<vmem>>
      %dma_start3A_51 = arith.constant 0 : i32
      %dma_start3A_52 = arith.constant 0 : i32
      %dma_start3A_53 = tpu.memref_slice %arg3[%dma_start3A_51, %dma_start3A_52] : memref<1024x1024xf32, #tpu.memory_space<hbm>> -> memref<1024x1024xf32, #tpu.memory_space<hbm>>
      tpu.enqueue_indirect_dma source(%dma_start3A_53 : memref<1024x1024xf32, #tpu.memory_space<hbm>>) target(%arg7 : memref<40x1024xf32, #tpu.memory_space<vmem>>) offsets(%dma_start3A_50 : memref<40xi32, #tpu.memory_space<vmem>>) semaphore(%arg9 : memref<!tpu.dma_semaphore, #tpu.memory_space<semaphore_mem>>)
      %mul3A_54 = arith.constant 2 : i32
      %mul3A_55 = arith.muli %scan3A_24, %mul3A_54 : i32
      %add3A_56 = arith.constant 1 : i32
      %add3A_57 = arith.addi %mul3A_55, %add3A_56 : i32
      %dma_wait3A_58 = arith.constant 0 : i32
      %dma_wait3A_59 = tpu.memref_slice %arg5[%add3A_57, %dma_wait3A_58] : memref<160x40xi32, #tpu.memory_space<vmem>> -> memref<1x40xi32, #tpu.memory_space<vmem>>
      %dma_wait3A_60 = tpu.memref_squeeze %dma_wait3A_59 : memref<1x40xi32, #tpu.memory_space<vmem>> -> memref<40xi32, #tpu.memory_space<vmem>>
      %dma_wait3A_61 = arith.constant 0 : i32
      %dma_wait3A_62 = arith.constant 0 : i32
      %dma_wait3A_63 = tpu.memref_slice %arg3[%dma_wait3A_61, %dma_wait3A_62] : memref<1024x1024xf32, #tpu.memory_space<hbm>> -> memref<1024x1024xf32, #tpu.memory_space<hbm>>
      tpu.wait_indirect_dma semaphore(%arg9 : memref<!tpu.dma_semaphore, #tpu.memory_space<semaphore_mem>>) src(%dma_wait3A_63 : memref<1024x1024xf32, #tpu.memory_space<hbm>>) dst(%arg7 : memref<40x1024xf32, #tpu.memory_space<vmem>>)
      %mul3A_64 = arith.constant 40 : i32
      %mul3A_65 = arith.muli %add3A_57, %mul3A_64 : i32
      %add3A_66 = arith.addi %multiple_of3A, %mul3A_65 : i32
      %dma_start3A_67 = arith.constant 0 : i32
      %dma_start3A_68 = tpu.memref_slice %arg4[%add3A_66, %dma_start3A_67] : memref<204800x1024xf32, #tpu.memory_space<hbm>> -> memref<40x1024xf32, #tpu.memory_space<hbm>>
      %dma_start3A_69 = arith.constant 0 : i32
      %dma_start3A_70 = tpu.memref_slice %arg4[%add3A_66, %dma_start3A_69] : memref<204800x1024xf32, #tpu.memory_space<hbm>> -> memref<40x1024xf32, #tpu.memory_space<hbm>>
      tpu.enqueue_dma source(%arg7 : memref<40x1024xf32, #tpu.memory_space<vmem>>) target(%dma_start3A_70 : memref<40x1024xf32, #tpu.memory_space<hbm>>) target_semaphore(%arg11 : memref<!tpu.dma_semaphore, #tpu.memory_space<semaphore_mem>>)
      %add3A_71 = arith.constant 1 : i32
      %add3A_72 = arith.addi %add3A_57, %add3A_71 : i32
      %min3A_73 = arith.constant 159 : i32
      %min3A_74 = arith.minsi %add3A_72, %min3A_73 : i32
      %gt3A_75 = arith.constant 0 : i32
      %gt3A_76 = arith.cmpi sgt, %scan3A_24, %gt3A_75 : i32
      %or3A_77 = arith.constant true
      %or3A_78 = arith.ori %gt3A_76, %or3A_77 : i1
      %convert_element_type3A_79 = arith.extui %or3A_78 : i1 to i32
      %cond3A_80 = arith.constant 0 : i32
      %cond3A_81 = arith.cmpi ne, %convert_element_type3A_79, %cond3A_80 : i32
      scf.if %cond3A_81 {
        %dma_wait3A_88 = arith.constant 0 : i32
        %dma_wait3A_89 = tpu.memref_slice %arg4[%multiple_of3A, %dma_wait3A_88] : memref<204800x1024xf32, #tpu.memory_space<hbm>> -> memref<40x1024xf32, #tpu.memory_space<hbm>>
        %dma_wait3A_90 = arith.constant 0 : i32
        %dma_wait3A_91 = tpu.memref_slice %arg4[%multiple_of3A, %dma_wait3A_90] : memref<204800x1024xf32, #tpu.memory_space<hbm>> -> memref<40x1024xf32, #tpu.memory_space<hbm>>
        tpu.wait_dma2 semaphore(%arg10 : memref<!tpu.dma_semaphore, #tpu.memory_space<semaphore_mem>>) src(%arg6 : memref<40x1024xf32, #tpu.memory_space<vmem>>) dst(%dma_wait3A_91 : memref<40x1024xf32, #tpu.memory_space<hbm>>)
      } else {
      }
      %dma_start3A_82 = arith.constant 0 : i32
      %dma_start3A_83 = tpu.memref_slice %arg5[%min3A_74, %dma_start3A_82] : memref<160x40xi32, #tpu.memory_space<vmem>> -> memref<1x40xi32, #tpu.memory_space<vmem>>
      %dma_start3A_84 = tpu.memref_squeeze %dma_start3A_83 : memref<1x40xi32, #tpu.memory_space<vmem>> -> memref<40xi32, #tpu.memory_space<vmem>>
      %dma_start3A_85 = arith.constant 0 : i32
      %dma_start3A_86 = arith.constant 0 : i32
      %dma_start3A_87 = tpu.memref_slice %arg3[%dma_start3A_85, %dma_start3A_86] : memref<1024x1024xf32, #tpu.memory_space<hbm>> -> memref<1024x1024xf32, #tpu.memory_space<hbm>>
      tpu.enqueue_indirect_dma source(%dma_start3A_87 : memref<1024x1024xf32, #tpu.memory_space<hbm>>) target(%arg6 : memref<40x1024xf32, #tpu.memory_space<vmem>>) offsets(%dma_start3A_84 : memref<40xi32, #tpu.memory_space<vmem>>) semaphore(%arg8 : memref<!tpu.dma_semaphore, #tpu.memory_space<semaphore_mem>>)
    }
    %scan3A_13 = arith.constant 80 : i32
    %dma_wait3A = arith.constant 0 : i32
    %dma_wait3A_14 = arith.constant 0 : i32
    %dma_wait3A_15 = tpu.memref_slice %arg5[%dma_wait3A, %dma_wait3A_14] : memref<160x40xi32, #tpu.memory_space<vmem>> -> memref<1x40xi32, #tpu.memory_space<vmem>>
    %dma_wait3A_16 = tpu.memref_squeeze %dma_wait3A_15 : memref<1x40xi32, #tpu.memory_space<vmem>> -> memref<40xi32, #tpu.memory_space<vmem>>
    %dma_wait3A_17 = arith.constant 0 : i32
    %dma_wait3A_18 = arith.constant 0 : i32
    %dma_wait3A_19 = tpu.memref_slice %arg3[%dma_wait3A_17, %dma_wait3A_18] : memref<1024x1024xf32, #tpu.memory_space<hbm>> -> memref<1024x1024xf32, #tpu.memory_space<hbm>>
    tpu.wait_indirect_dma semaphore(%arg8 : memref<!tpu.dma_semaphore, #tpu.memory_space<semaphore_mem>>) src(%dma_wait3A_19 : memref<1024x1024xf32, #tpu.memory_space<hbm>>) dst(%arg6 : memref<40x1024xf32, #tpu.memory_space<vmem>>)
    %dma_wait3A_20 = arith.constant 0 : i32
    %dma_wait3A_21 = tpu.memref_slice %arg4[%multiple_of3A, %dma_wait3A_20] : memref<204800x1024xf32, #tpu.memory_space<hbm>> -> memref<40x1024xf32, #tpu.memory_space<hbm>>
    %dma_wait3A_22 = arith.constant 0 : i32
    %dma_wait3A_23 = tpu.memref_slice %arg4[%multiple_of3A, %dma_wait3A_22] : memref<204800x1024xf32, #tpu.memory_space<hbm>> -> memref<40x1024xf32, #tpu.memory_space<hbm>>
    tpu.wait_dma2 semaphore(%arg11 : memref<!tpu.dma_semaphore, #tpu.memory_space<semaphore_mem>>) src(%arg7 : memref<40x1024xf32, #tpu.memory_space<vmem>>) dst(%dma_wait3A_23 : memref<40x1024xf32, #tpu.memory_space<hbm>>)
    return
  }
}

</mosaic_0001>

<sc_bundles>
// kernel: kernel.3.cloned.1.call-start
scs
__scs_entry_jumppad:
0x0: {  	(pc) =	sbr.rel $0x88, $3  }
0x1: {  	(tag) =	ssettag $0x0;
	lr =	simm.s32 $0x1  }
0x2: {  	[smem:$0x3F9F] =	sst lr;
	_ =	strace $0xD0000000  }
0x3: {  	_ = 	snop  }
0x4: {  	_ = 	snop  }
0x5: {  	_ = 	snop  }
0x6: {  	_ = 	snop  }
0x7: {  	_ = 	snop  }
__scs_overlays_trampoline_lowered:
0x8: {  	[smem:$0x3FAE] =	sst s0  }
0x9: {  	[smem:$0x3FAF] =	sst s1  }
0xa: {  	[smem:$0x3FB0] =	sst s2  }
0xb: {  	[smem:$0x3FB1] =	sst s3  }
0xc: {  	[smem:$0x3FB2] =	sst s4  }
0xd: {  	[smem:$0x3FB3] =	sst s5  }
0xe: {  	[smem:$0x3FB4] =	sst s6  }
0xf: {  	[smem:$0x3FB5] =	sst s7  }
0x10: {  	[smem:$0x3FB6] =	sst s8  }
0x11: {  	[smem:$0x3FB7] =	sst s9;
	s0 =	simm.s32 @!p0 $0x0  }
0x12: {  	s1 =	sld [smem:$0x3F9D];
	s0 =	simm.s32 @p0 $0x1  }
0x13: {  	[smem:$0x3FB8] =	sst s0;
	s0 =	simm.s32 @!p1 $0x0  }
0x14: {  	s2 =	sld [smem:$0x3F9C];
	s0 =	simm.s32 @p1 $0x1  }
0x15: {  	[smem:$0x3FB9] =	sst s0;
	s0 =	simm.s32 @!p2 $0x0  }
0x16: {  	s3 =	sld [smem:$0x3FDB];
	s0 =	simm.s32 @p2 $0x1  }
0x17: {  	s4 =	simm.s32 $0x1BF5;
	[smem:$0x3FBB] =	sst s0  }
0x18: {  	s0 =	sld [smem:$0x3F9E];
	_ =	swait.ge [sflag:s4], $0x0  }
0x19: {  	s7 =	sld [smem:$0x3F9F]  }
0x1a: {  	s8 =	sadd.s32 $0xFFFFE003, lr  }
0x1b: {  	s9 =	sadd.s32 $0xFFFFFEF7, lr;
	s5 =	simm.s32 $0xFFFFFFFF;
	p2 =	slt.u32 s8, $0xFFFFF086  }
0x1c: {  	p1 =	slt.u32 s9, $0xF7A;
	s5 =	simm.s32 @!p2 $0x0  }
0x1d: {  	s5 =	simm.s32 @p1 $0x1;
	p0 =	seq.s32 s7, s2  }
0x1e: {  	s7 =	smul.u32 @!p0 $0xF7A, s2;
	p2 =	seq.s32 @!p0 s5, $0x0  }
0x1f: {  	s9 =	smul.u32 $0xF7A, s1;
	s8 =	simm.s32 @!p0 $0x1BF5;
	p2 =	por !p2, p0  }
0x20: {  	[sflag:s8] =	ssyncset.s32 @!p0 $0xFFFFF086;
	s6 =	sadd.s32 @!p0 s3, s7;
	s7 =	simm.s32 @!p0 $0x108  }
0x21: {  	s3 =	sadd.s32 s3, s9;
	s6 =	sadd.s32 @!p0 $0x88, s6;
	s7 =	simm.s32 @p2 $0x1082  }
0x22: {  	[simem:s7], [sflag:s8] =	dma.local @!p0 [hbm:s6], $0xF7A  }
0x23: {  	s9 =	sor.u32 $0xD0000000, s2;
	s6 =	simm.s32 $0x108;
	_ =	swait.ge @!p0 [sflag:s8], $0x0  }
0x24: {  	s3 =	sadd.s32 $0x88, s3;
	s6 =	simm.s32 @!p1 $0x1082;
	[sflag:s4] =	ssyncset.s32 $0xFFFFF086  }
0x25: {  	[simem:s6], [sflag:s4] =	dma.local [hbm:s3], $0xF7A  }
0x26: {  	[smem:$0x3F9F] =	sst s1;
	(tag) =	ssettag s2;
	_ =	strace s9  }
0x27: {  	s1 =	sld [smem:$0x3FAF]  }
0x28: {  	s2 =	sld [smem:$0x3FB0]  }
0x29: {  	s4 =	sld [smem:$0x3FB2]  }
0x2a: {  	p0 =	seq.s32 s5, $0x0;
	s5 =	sld [smem:$0x3FB3]  }
0x2b: {  	s6 =	sld [smem:$0x3FB4]  }
0x2c: {  	s7 =	sld [smem:$0x3FB5]  }
0x2d: {  	s3 =	simm.s32 $0x108;
	s8 =	sld [smem:$0x3FB6]  }
0x2e: {  	s3 =	simm.s32 @!p0 $0x1082;
	s9 =	sld [smem:$0x3FB7]  }
0x2f: {  	lr =	sadd.s32 s0, s3;
	s0 =	sld [smem:$0x3FAE]  }
0x30: {  	s3 =	sld [smem:$0x3FB1]  }
0x31: {  	[smem:$0x3FBA] =	sst s10  }
0x32: {  	s10 =	sld [smem:$0x3FB8];
	_ =	sdelay $0x3  }
0x33: {  	p0 =	seq.s32 s10, $0x1;
	s10 =	sld [smem:$0x3FBA];
	_ =	sdelay $0x3  }
0x34: {  	[smem:$0x3FBA] =	sst s10  }
0x35: {  	s10 =	sld [smem:$0x3FB9];
	_ =	sdelay $0x3  }
0x36: {  	p1 =	seq.s32 s10, $0x1;
	s10 =	sld [smem:$0x3FBA];
	_ =	sdelay $0x3  }
0x37: {  	[smem:$0x3FBA] =	sst s10  }
0x38: {  	s10 =	sld [smem:$0x3FBB]  }
0x39: {  	_ = 	snop;
	(pc) =	sbr.ind lr, $3  }
0x3a: {  	_ = 	snop  }
0x3b: {  	_ = 	snop  }
0x3c: {  	p2 =	seq.s32 s10, $0x1;
	s10 =	sld [smem:$0x3FBA]  }
0x3d: {  	_ =	shalt  }
0x3e: {  	_ =	shalt  }
0x3f: {  	_ =	shalt  }
0x40: {  	_ =	shalt  }
0x41: {  	_ =	shalt  }
0x42: {  	_ =	shalt  }
0x43: {  	_ =	shalt  }
0x44: {  	_ =	shalt  }
0x45: {  	_ =	shalt  }
0x46: {  	_ =	shalt  }
0x47: {  	_ =	shalt  }
0x48: {  	_ =	shalt  }
0x49: {  	_ =	shalt  }
0x4a: {  	_ =	shalt  }
0x4b: {  	_ =	shalt  }
0x4c: {  	_ =	shalt  }
0x4d: {  	_ =	shalt  }
0x4e: {  	_ =	shalt  }
0x4f: {  	_ =	shalt  }
0x50: {  	_ =	shalt  }
0x51: {  	_ =	shalt  }
0x52: {  	_ =	shalt  }
0x53: {  	_ =	shalt  }
0x54: {  	_ =	shalt  }
0x55: {  	_ =	shalt  }
0x56: {  	_ =	shalt  }
0x57: {  	_ =	shalt  }
0x58: {  	_ =	shalt  }
0x59: {  	_ =	shalt  }
0x5a: {  	_ =	shalt  }
0x5b: {  	_ =	shalt  }
0x5c: {  	_ =	shalt  }
0x5d: {  	_ =	shalt  }
0x5e: {  	_ =	shalt  }
0x5f: {  	_ =	shalt  }
0x60: {  	_ =	shalt  }
0x61: {  	_ =	shalt  }
0x62: {  	_ =	shalt  }
0x63: {  	_ =	shalt  }
0x64: {  	_ =	shalt  }
0x65: {  	_ =	shalt  }
0x66: {  	_ =	shalt  }
0x67: {  	_ =	shalt  }
0x68: {  	_ =	shalt  }
0x69: {  	_ =	shalt  }
0x6a: {  	_ =	shalt  }
0x6b: {  	_ =	shalt  }
0x6c: {  	_ =	shalt  }
0x6d: {  	_ =	shalt  }
0x6e: {  	_ =	shalt  }
0x6f: {  	_ =	shalt  }
0x70: {  	_ =	shalt  }
0x71: {  	_ =	shalt  }
0x72: {  	_ =	shalt  }
0x73: {  	_ =	shalt  }
0x74: {  	_ =	shalt  }
0x75: {  	_ =	shalt  }
0x76: {  	_ =	shalt  }
0x77: {  	_ =	shalt  }
0x78: {  	_ =	shalt  }
0x79: {  	_ =	shalt  }
0x7a: {  	_ =	shalt  }
0x7b: {  	_ =	shalt  }
0x7c: {  	_ =	shalt  }
0x7d: {  	_ =	shalt  }
0x7e: {  	_ =	shalt  }
0x7f: {  	_ =	shalt  }
0x80: {  	_ =	shalt  }
0x81: {  	_ =	shalt  }
0x82: {  	_ =	shalt  }
0x83: {  	_ =	shalt  }
0x84: {  	_ =	shalt  }
0x85: {  	_ =	shalt  }
0x86: {  	_ =	shalt  }
0x87: {  	_ =	shalt  }
.Lfunc_end0:
.L_simem_size_0:
called_computation.1_lowered:
.L_overlay_start_0:
0x88: {  	s2 =	sld [smem:$0x3FD9]  }
0x89: {  	s3 =	sld [smem:$0x3FFE];
	_ =	sdelay $0x1  }
0x8a: {  	s1 =	srdreg.scid  }
0x8b: {  	s0 =	sand.u32 $0x1, s1  }
0x8c: {  	s17 =	sshll.u32 s0, $0xA;
	s2 =	sadd.s32 s3, s2  }
0x8d: {  	s2 =	sadd.s32 s2, s17  }
0x8e: {  	[smem:$0x3FC6] =	sst s2  }
0x8f: {  	_ = 	snop  }
0x90: {  	s2 =	sld [smem:$0x3FC8]  }
0x91: {  	s18 =	sld [smem:$0x3FD0];
	(tm) =	ssettm $0x1  }
0x92: {  	s4 =	sld [smem:$0x3FFB];
	_ =	sdelay $0x3  }
0x93: {  	_ =	strace s4  }
0x94: {  	s4 =	sld [smem:$0x3FFC];
	_ =	sdelay $0x3  }
0x95: {  	_ =	strace s4  }
0x96: {  	s4 =	sld [smem:$0x3FFD];
	_ =	sdelay $0x3  }
0x97: {  	_ =	strace s4  }
0x98: {  	_ =	strace $0x8FFFFFFF  }
0x99: {  	s19 =	sld [smem:$0x3FDB];
	_ =	sdelay $0x1  }
0x9a: {  	s5 =	simm.s32 $_scs_section_size  }
0x9b: {  	s6 =	simm.s32 $_size__tile_overlayer_lowered;
	s7 =	simm.s32 $_tile_overlayer_lowered  }
0x9c: {  	s22 =	simm.s32 $0x1BFF;
	s21 =	sshll.u32 s7, $0x1;
	s4 =	sadd.s32 s5, s19  }
0x9d: {  	s8 =	simm.s32 $0x0;
	s20 =	sshll.u32 s6, $0x1;
	s6 =	sadd.s32 s21, s4  }
0x9e: {  	[timem:s8], [sflag:s22] =	dma.local [hbm:s6], s20  }
0x9f: {  	_ =	swait.ge [sflag:s22], s20  }
0xa0: {  	s5 =	ssub.s32 $0x0, s20;
	[sflag:s22] =	ssyncset.done $0x0  }
0xa1: {  	[sflag:s22] =	ssyncadd.s32 s5;
	_ =	sdelay $0x1  }
0xa2: {  	s23 =	simm.s32 $0x1B8B  }
0xa3: {  	_ =	swait.ge [sflag:s23], $0x1  }
0xa4: {  	[sflag:s23] =	ssyncset.done $0x0  }
0xa5: {  	s25 =	simm.s32 $0x1B8E;
	s24 =	sld [smem:$0x3FFE];
	[sflag:s23] =	ssyncadd.s32 $0xFFFFFFFF  }
0xa6: {  	s26 =	simm.s32 $execute0_lowered;
	[smem:$0x3FD2] =	sst s25  }
0xa7: {  	s6 =	sshll.u32 s26, $0x1;
	_ =	strace $0x80000046;
	[dreg:$0x1] =	wrdreg $0xFFFFFFFF  }
0xa8: {  	s28 =	simm.s32 $_size_execute0_lowered;
	s4 =	sadd.s32 s4, s6;
	[dreg:$0x0] =	wrdreg $0x0  }
0xa9: {  	s6 =	sshll.u32 s28, $0x1;
	[dreg:$0x2] =	wrdreg s4  }
0xaa: {  	[dreg:$0x3] =	wrdreg s6  }
0xab: {  	[dreg:$0x4] =	wrdreg $0xC0  }
0xac: {  	_ =	task [dreg:s8], $0x5FFFF  }
0xad: {  	[dreg:$0x1] =	wrdreg $0xFFFFFFFF  }
0xae: {  	[dreg:$0x0] =	wrdreg $0x60  }
0xaf: {  	[dreg:$0x2] =	wrdreg s24  }
0xb0: {  	[dreg:$0x3] =	wrdreg s2  }
0xb1: {  	[dreg:$0x4] =	wrdreg s18  }
0xb2: {  	[dreg:$0x5] =	wrdreg $0x9  }
0xb3: {  	_ =	task.clear_ibuf [dreg:s8], $0x6FFFF;
	_ =	strace $0x90000046  }
0xb4: {  	s29 =	simm.s32 $0x9;
	_ =	strace $0x80000048  }
0xb5: {  	_ =	swait.ge [sflag:s29], $0x1  }
0xb6: {  	[sflag:s29] =	ssyncadd.s32 $0xFFFFFFFF  }
0xb7: {  	_ =	strace $0x90000048  }
0xb8: {  	_ =	sfence  }
0xb9: {  	s30 =	sld [smem:$0x0];
	_ =	sdelay $0x2  }
0xba: {  	s31 =	sshll.u32 s1, $0xD;
	s1 =	sshrl.u32 s1, $0x2  }
0xbb: {  	s3 =	sand.u32 $0x4000, s31;
	s1 =	sadd.s32 s1, s30  }
0xbc: {  	s0 =	sor.u32 s3, s0;
	s1 =	sshll.u32 s1, $0x11  }
0xbd: {  	s0 =	sor.u32 s1, s0  }
0xbe: {  	s0 =	sadd.s32 $0x8F2B, s0  }
0xbf: {  	[sflag:s0] =	ssyncadd.remote.s32 $0x1  }
0xc0: {  	_ =	sfence.sel $0xFFFF  }
0xc1: {  	[dreg:$0x0] =	wrdreg $0xFFFFFFFF;
	(pc) =	sbr.abs _section_cstart, $3  }
0xc2: {  	[dreg:$0x1] =	wrdreg $0xFFFFFFFF  }
0xc3: {  	_ =	task.clear_ibuf [dreg:s8], $0x2FFFF;
	_ =	strace $0x9FFFFFFF  }
0xc4: {  	(tm) =	ssettm $0x7FFFFFFF  }
0xc5: {  	_ =	shalt  }
tec
execute0_lowered:
.L_overlay_start_1:
0x0: {  	(tag) =	ssettag $0x1  }
0x1: {  	s0 =	rddreg [dreg:$0x0];
	s1 =	srdreg.scid  }
0x2: {  	s7 =	stileid.u32;
	s2 =	rddreg [dreg:$0x1]  }
0x3: {  	s4 =	rddreg [dreg:$0x2];
	s24 =	simm.s32 $0xF800;
	s25 =	simm.s32 $0x10000  }
0x4: {  	s10 =	simm.s32 $0x5000;
	s9 =	simm.s32 $0x11800;
	s13 =	simm.s32 $0x5800  }
0x5: {  	s11 =	simm.s32 $0x12000;
	s14 =	simm.s32 $0x6000;
	s12 =	simm.s32 $0x12800  }
0x6: {  	s15 =	simm.s32 $0x13000;
	s16 =	simm.s32 $0x13800;
	s17 =	simm.s32 $0x14000  }
0x7: {  	s18 =	simm.s32 $0x14800;
	s1 =	sand.u32 $0x1, s1;
	s3 =	sshll.u32 s7, $0x1  }
0x8: {  	s19 =	simm.s32 $0x15000;
	s5 =	sor.u32 s1, s3;
	s3 =	simm.s32 $0x0  }
0x9: {  	s20 =	simm.s32 $0x15800;
	s21 =	simm.s32 $0x16000;
	[smem:$0x7FF] =	sst s3  }
0xa: {  	s22 =	simm.s32 $0x16800;
	_ =	strace $0x80000047;
	[dreg:$0x5] =	wrdreg s24  }
0xb: {  	s28 =	simm.s32 $0xE000;
	s29 =	simm.s32 $0xE800;
	[dreg:$0x6] =	wrdreg s25  }
0xc: {  	s31 =	simm.s32 $0x1;
	s7 =	smul.u32 $0x190000, s7;
	[dreg:$0x9] =	wrdreg s9  }
0xd: {  	s6 =	ssub.s32 $0x2, s1;
	s1 =	smul.u32 $0xC8000, s1;
	[dreg:$0xa] =	wrdreg s11  }
0xe: {  	s30 =	simm.s32 $0x0;
	s5 =	smul.u32 $0xA00, s5;
	[dreg:$0xb] =	wrdreg s12  }
0xf: {  	s8 =	sshrl.u32 s6, $0x1;
	s4 =	sadd.s32 s7, s4;
	[dreg:$0xc] =	wrdreg s15  }
0x10: {  	s7 =	sadd.s32 $0x300, s2;
	s8 =	ssub.s32 s6, s8;
	[dreg:$0xd] =	wrdreg s16  }
0x11: {  	s23 =	sadd.s32 s1, s4;
	s6 =	sadd.s32 $0x200, s2;
	[dreg:$0xe] =	wrdreg s17  }
0x12: {  	s4 =	simm.s32 $0x10800;
	s9 =	simm.s32 $0x6800;
	[dreg:$0xf] =	wrdreg s18  }
0x13: {  	s11 =	simm.s32 $0x7000;
	s12 =	simm.s32 $0x7800;
	[dreg:$0x10] =	wrdreg s19  }
0x14: {  	s15 =	simm.s32 $0x8000;
	s16 =	simm.s32 $0x8800;
	[dreg:$0x11] =	wrdreg s20  }
0x15: {  	s17 =	simm.s32 $0x9000;
	s18 =	simm.s32 $0x9800;
	[dreg:$0x12] =	wrdreg s21  }
0x16: {  	s19 =	simm.s32 $0xA000;
	s20 =	simm.s32 $0xA800;
	[dreg:$0x13] =	wrdreg s22  }
0x17: {  	s21 =	simm.s32 $0xB000;
	s24 =	simm.s32 $0x17800;
	[dreg:$0x4] =	wrdreg s23  }
0x18: {  	s22 =	simm.s32 $0xB800;
	s25 =	simm.s32 $0x18000;
	[dreg:$0x7] =	wrdreg s4  }
0x19: {  	s1 =	simm.s32 $0xF000;
	s0 =	sadd.s32 s5, s0;
	[dreg:$0x15] =	wrdreg s24  }
0x1a: {  	s5 =	sadd.s32 $0x100, s2;
	s26 =	smax.u32 s8, $0x1;
	[dreg:$0x16] =	wrdreg s25  }
0x1b: {  	s8 =	simm.s32 $0x11000;
	s23 =	simm.s32 $0x17000;
	[dreg:$0x19] =	wrdreg s26  }
0x1c: {  	s24 =	simm.s32 $0xC800;
	s25 =	simm.s32 $0xD000;
	[dreg:$0x8] =	wrdreg s8  }
0x1d: {  	v2 =	vlaneseq.u32;
	s4 =	simm.s32 $0x3;
	s0 =	sadd.s32 $0x800, s0;
	[dreg:$0x14] =	wrdreg s23  }
0x1e: {  	vm0 =	vmmov $0xffff;
	v1 =	vshrl.u32 v2, $0x3;
	s23 =	simm.s32 $0xC000;
	s26 =	simm.s32 $0x18800;
	[dreg:$0x18] =	wrdreg s0  }
0x1f: {  	v0 =	vand.u32 $0x7, v2;
	v2 =	vor.u32 $0x8, v2;
	v1 =	vmul.u32 $0x8, v1;
	[dreg:$0x17] =	wrdreg s26;
	s26 =	simm.s32 $0xD800;
	s0 =	simm.s32 $0x2  }
.LBB2_1:
0x20: {  	s8 =	rddreg [dreg:$0x18]  }
0x21: {  	[tilespmem:s3], [sflag:$0x5] =	stream.linear.gather [hbm4b:s8+s3], $0x5000, $0x38;
	[tilespmem:$0x19000] =	vst v63  }
0x22: {  	[dreg:$0x1a] =	wrdreg s30;
	s8 =	simm.s32 $0x5  }
0x23: {  	_ =	swait.ge [sflag:s8], $0x5000  }
0x24: {  	[sflag:s8] =	ssyncset.done $0x0  }
0x25: {  	[sflag:s8] =	ssyncadd.s32 $0xFFFFB000  }
0x26: {  	v3 =	vld [tilespmem:$0x0];
	_ =	sdelay $0x4  }
0x27: {  	v4 =	vshll.u32 v3, $0x3  }
0x28: {  	v3 =	vand.u32 $0x7, v3;
	v4 =	vand.u32 $0xFFFFFFC0, v4  }
0x29: {  	v3 =	vor.u32 v3, v4  }
0x2a: {  	v4 =	vperm.xlane v3, v0;
	_ =	sdelay $0x1  }
0x2b: {  	v4 =	vadd.s32 v1, v4;
	_ =	sdelay $0x4  }
0x2c: {  	[tilespmem:s10], [sflag:$0x1] =	stream.indirect_vreg.gather [hbm4b:s2+s3], $0x80, v4, vm0, $0xb8;
	[tilespmem:$0x19000] =	vst v63  }
0x2d: {  	v3 =	vperm.xlane v3, v2  }
0x2e: {  	[tilespmem:s13], [sflag:$0x1] =	stream.indirect_vreg.gather [hbm4b:s5+s3], $0x80, v4, vm0, $0xb8;
	[tilespmem:$0x19000] =	vst v63  }
0x2f: {  	v3 =	vadd.s32 v1, v3  }
0x30: {  	[tilespmem:s14], [sflag:$0x1] =	stream.indirect_vreg.gather [hbm4b:s6+s3], $0x80, v4, vm0, $0xb8;
	[tilespmem:$0x19000] =	vst v63  }
0x31: {  	_ = 	snop  }
0x32: {  	[tilespmem:s9], [sflag:$0x1] =	stream.indirect_vreg.gather [hbm4b:s7+s3], $0x80, v4, vm0, $0xb8;
	[tilespmem:$0x19000] =	vst v63  }
0x33: {  	_ = 	snop  }
0x34: {  	[tilespmem:s11], [sflag:$0x1] =	stream.indirect_vreg.gather [hbm4b:s2+s3], $0x80, v3, vm0, $0xb8;
	[tilespmem:$0x19000] =	vst v63  }
0x35: {  	_ = 	snop  }
0x36: {  	[tilespmem:s12], [sflag:$0x1] =	stream.indirect_vreg.gather [hbm4b:s5+s3], $0x80, v3, vm0, $0xb8;
	[tilespmem:$0x19000] =	vst v63  }
0x37: {  	_ = 	snop  }
0x38: {  	[tilespmem:s15], [sflag:$0x1] =	stream.indirect_vreg.gather [hbm4b:s6+s3], $0x80, v3, vm0, $0xb8;
	[tilespmem:$0x19000] =	vst v63  }
0x39: {  	_ = 	snop  }
0x3a: {  	[tilespmem:s16], [sflag:$0x1] =	stream.indirect_vreg.gather [hbm4b:s7+s3], $0x80, v3, vm0, $0xb8;
	[tilespmem:$0x19000] =	vst v63  }
0x3b: {  	v3 =	vld [tilespmem:$0x10];
	_ =	sdelay $0x4  }
0x3c: {  	v62 =	vshll.u32 v3, $0x3  }
0x3d: {  	v3 =	vand.u32 $0x7, v3;
	v4 =	vand.u32 $0xFFFFFFC0, v62  }
0x3e: {  	v3 =	vor.u32 v3, v4  }
0x3f: {  	v4 =	vperm.xlane v3, v0;
	_ =	sdelay $0x1  }
0x40: {  	v4 =	vadd.s32 v1, v4;
	_ =	sdelay $0x4  }
0x41: {  	[tilespmem:s17], [sflag:$0x1] =	stream.indirect_vreg.gather [hbm4b:s2+s3], $0x80, v4, vm0, $0xb8;
	[tilespmem:$0x19000] =	vst v63  }
0x42: {  	v3 =	vperm.xlane v3, v2  }
0x43: {  	[tilespmem:s18], [sflag:$0x1] =	stream.indirect_vreg.gather [hbm4b:s5+s3], $0x80, v4, vm0, $0xb8;
	[tilespmem:$0x19000] =	vst v63  }
0x44: {  	v3 =	vadd.s32 v1, v3  }
0x45: {  	[tilespmem:s19], [sflag:$0x1] =	stream.indirect_vreg.gather [hbm4b:s6+s3], $0x80, v4, vm0, $0xb8;
	[tilespmem:$0x19000] =	vst v63  }
0x46: {  	_ = 	snop  }
0x47: {  	[tilespmem:s20], [sflag:$0x1] =	stream.indirect_vreg.gather [hbm4b:s7+s3], $0x80, v4, vm0, $0xb8;
	[tilespmem:$0x19000] =	vst v63  }
0x48: {  	_ = 	snop  }
0x49: {  	[tilespmem:s21], [sflag:$0x1] =	stream.indirect_vreg.gather [hbm4b:s2+s3], $0x80, v3, vm0, $0xb8;
	[tilespmem:$0x19000] =	vst v63  }
0x4a: {  	_ = 	snop  }
0x4b: {  	[tilespmem:s22], [sflag:$0x1] =	stream.indirect_vreg.gather [hbm4b:s5+s3], $0x80, v3, vm0, $0xb8;
	[tilespmem:$0x19000] =	vst v63  }
0x4c: {  	_ = 	snop  }
0x4d: {  	[tilespmem:s23], [sflag:$0x1] =	stream.indirect_vreg.gather [hbm4b:s6+s3], $0x80, v3, vm0, $0xb8;
	[tilespmem:$0x19000] =	vst v63  }
0x4e: {  	_ = 	snop  }
0x4f: {  	[tilespmem:s24], [sflag:$0x1] =	stream.indirect_vreg.gather [hbm4b:s7+s3], $0x80, v3, vm0, $0xb8;
	[tilespmem:$0x19000] =	vst v63  }
0x50: {  	v3 =	vld.msk [tilespmem:$0x20], $0xff;
	_ =	sdelay $0x4  }
0x51: {  	v63 =	vshll.u32 v3, $0x3  }
0x52: {  	v3 =	vand.u32 $0x7, v3;
	v4 =	vand.u32 $0xFFFFFFC0, v63  }
0x53: {  	v3 =	vor.u32 v3, v4  }
0x54: {  	v3 =	vperm.xlane v3, v0;
	_ =	sdelay $0x1  }
0x55: {  	v3 =	vadd.s32 v1, v3;
	_ =	sdelay $0x2  }
0x56: {  	s30 =	simm.s32 $0xD800;
	s8 =	simm.s32 $0xA0  }
0x57: {  	s9 =	simm.s32 $0x0;
	s11 =	simm.s32 $0x0;
	s15 =	simm.s32 $0x6800  }
0x58: {  	[tilespmem:s25], [sflag:$0x1] =	stream.indirect_vreg.gather [hbm4b:s2+s3], $0x80, v3, vm0, $0xb8;
	[tilespmem:$0x19000] =	vst v63  }
0x59: {  	s16 =	simm.s32 $0x7000;
	s17 =	simm.s32 $0x7800;
	s18 =	simm.s32 $0xE800  }
0x5a: {  	[tilespmem:s26], [sflag:$0x1] =	stream.indirect_vreg.gather [hbm4b:s5+s3], $0x80, v3, vm0, $0xb8;
	[tilespmem:$0x19000] =	vst v63  }
0x5b: {  	s19 =	simm.s32 $0x8800;
	s20 =	simm.s32 $0x9000;
	s21 =	simm.s32 $0x9800  }
0x5c: {  	[tilespmem:s28], [sflag:$0x1] =	stream.indirect_vreg.gather [hbm4b:s6+s3], $0x80, v3, vm0, $0xb8;
	[tilespmem:$0x19000] =	vst v63  }
0x5d: {  	s22 =	simm.s32 $0xA000;
	s23 =	simm.s32 $0xA800;
	s25 =	simm.s32 $0xB800  }
0x5e: {  	[tilespmem:s29], [sflag:$0x1] =	stream.indirect_vreg.gather [hbm4b:s7+s3], $0x80, v3, vm0, $0xb8;
	[tilespmem:$0x19000] =	vst v63  }
0x5f: {  	s26 =	simm.s32 $0xC000;
	s28 =	simm.s32 $0xC800;
	s29 =	simm.s32 $0xD000  }
.LBB2_2:
0x60: {  	_ =	swait.ge [sflag:s31], $0xA000  }
0x61: {  	p0 =	seq.s32 s11, $0x0;
	s12 =	rddreg [dreg:$0x4];
	[sflag:s31] =	ssyncset.done $0x0  }
0x62: {  	s13 =	simm.s32 @!p0 $0x4;
	[sflag:s31] =	ssyncadd.s32 $0xFFFF6000;
	s12 =	sadd.s32 s11, s12  }
0x63: {  	[hbm4b:s12+s3] =	stream.linear.scatter [tilespmem:s10], [sflag:$0x3], $0xA000, $0x38;
	[tilespmem:$0x19000] =	vst v63  }
0x64: {  	_ =	swait.ge @!p0 [sflag:s13], $0xA000  }
0x65: {  	[sflag:s13] =	ssyncset.done @!p0 $0x0  }
0x66: {  	[sflag:s13] =	ssyncadd.s32 @!p0 $0xFFFF6000  }
0x67: {  	v3 =	vld [tilespmem:s8+$0xFFFFFFE0];
	_ =	sdelay $0x4  }
0x68: {  	v4 =	vshll.u32 v3, $0x3  }
0x69: {  	v3 =	vand.u32 $0x7, v3;
	v4 =	vand.u32 $0xFFFFFFC0, v4  }
0x6a: {  	v3 =	vor.u32 v3, v4  }
0x6b: {  	v4 =	vperm.xlane v3, v0;
	_ =	sdelay $0x1  }
0x6c: {  	v4 =	vadd.s32 v1, v4;
	_ =	sdelay $0x4  }
0x6d: {  	[tilespmem:s1], [sflag:$0x2] =	stream.indirect_vreg.gather [hbm4b:s2+s3], $0x80, v4, vm0, $0xb8;
	[tilespmem:$0x19000] =	vst v63  }
0x6e: {  	s24 =	rddreg [dreg:$0x5];
	v3 =	vperm.xlane v3, v2  }
0x6f: {  	[tilespmem:s24], [sflag:$0x2] =	stream.indirect_vreg.gather [hbm4b:s5+s3], $0x80, v4, vm0, $0xb8;
	[tilespmem:$0x19000] =	vst v63  }
0x70: {  	s14 =	rddreg [dreg:$0x6];
	v3 =	vadd.s32 v1, v3  }
0x71: {  	[tilespmem:s14], [sflag:$0x2] =	stream.indirect_vreg.gather [hbm4b:s6+s3], $0x80, v4, vm0, $0xb8;
	[tilespmem:$0x19000] =	vst v63  }
0x72: {  	s24 =	rddreg [dreg:$0x7]  }
0x73: {  	[tilespmem:s24], [sflag:$0x2] =	stream.indirect_vreg.gather [hbm4b:s7+s3], $0x80, v4, vm0, $0xb8;
	[tilespmem:$0x19000] =	vst v63  }
0x74: {  	s14 =	rddreg [dreg:$0x8]  }
0x75: {  	[tilespmem:s14], [sflag:$0x2] =	stream.indirect_vreg.gather [hbm4b:s2+s3], $0x80, v3, vm0, $0xb8;
	[tilespmem:$0x19000] =	vst v63  }
0x76: {  	s24 =	rddreg [dreg:$0x9]  }
0x77: {  	[tilespmem:s24], [sflag:$0x2] =	stream.indirect_vreg.gather [hbm4b:s5+s3], $0x80, v3, vm0, $0xb8;
	[tilespmem:$0x19000] =	vst v63  }
0x78: {  	s14 =	rddreg [dreg:$0xa]  }
0x79: {  	[tilespmem:s14], [sflag:$0x2] =	stream.indirect_vreg.gather [hbm4b:s6+s3], $0x80, v3, vm0, $0xb8;
	[tilespmem:$0x19000] =	vst v63  }
0x7a: {  	s24 =	rddreg [dreg:$0xb]  }
0x7b: {  	[tilespmem:s24], [sflag:$0x2] =	stream.indirect_vreg.gather [hbm4b:s7+s3], $0x80, v3, vm0, $0xb8;
	[tilespmem:$0x19000] =	vst v63  }
0x7c: {  	v3 =	vld [tilespmem:s8+$0xFFFFFFF0];
	_ =	sdelay $0x4  }
0x7d: {  	v59 =	vshll.u32 v3, $0x3  }
0x7e: {  	v3 =	vand.u32 $0x7, v3;
	v4 =	vand.u32 $0xFFFFFFC0, v59  }
0x7f: {  	v3 =	vor.u32 v3, v4  }
0x80: {  	v4 =	vperm.xlane v3, v0;
	_ =	sdelay $0x1  }
0x81: {  	v4 =	vadd.s32 v1, v4;
	_ =	sdelay $0x3  }
0x82: {  	s14 =	rddreg [dreg:$0xc]  }
0x83: {  	[tilespmem:s14], [sflag:$0x2] =	stream.indirect_vreg.gather [hbm4b:s2+s3], $0x80, v4, vm0, $0xb8;
	[tilespmem:$0x19000] =	vst v63  }
0x84: {  	s24 =	rddreg [dreg:$0xd];
	v3 =	vperm.xlane v3, v2  }
0x85: {  	[tilespmem:s24], [sflag:$0x2] =	stream.indirect_vreg.gather [hbm4b:s5+s3], $0x80, v4, vm0, $0xb8;
	[tilespmem:$0x19000] =	vst v63  }
0x86: {  	s13 =	rddreg [dreg:$0xe];
	v3 =	vadd.s32 v1, v3  }
0x87: {  	[tilespmem:s13], [sflag:$0x2] =	stream.indirect_vreg.gather [hbm4b:s6+s3], $0x80, v4, vm0, $0xb8;
	[tilespmem:$0x19000] =	vst v63  }
0x88: {  	s24 =	rddreg [dreg:$0xf]  }
0x89: {  	[tilespmem:s24], [sflag:$0x2] =	stream.indirect_vreg.gather [hbm4b:s7+s3], $0x80, v4, vm0, $0xb8;
	[tilespmem:$0x19000] =	vst v63  }
0x8a: {  	s13 =	rddreg [dreg:$0x10]  }
0x8b: {  	[tilespmem:s13], [sflag:$0x2] =	stream.indirect_vreg.gather [hbm4b:s2+s3], $0x80, v3, vm0, $0xb8;
	[tilespmem:$0x19000] =	vst v63  }
0x8c: {  	s24 =	rddreg [dreg:$0x11]  }
0x8d: {  	[tilespmem:s24], [sflag:$0x2] =	stream.indirect_vreg.gather [hbm4b:s5+s3], $0x80, v3, vm0, $0xb8;
	[tilespmem:$0x19000] =	vst v63  }
0x8e: {  	s13 =	rddreg [dreg:$0x12]  }
0x8f: {  	[tilespmem:s13], [sflag:$0x2] =	stream.indirect_vreg.gather [hbm4b:s6+s3], $0x80, v3, vm0, $0xb8;
	[tilespmem:$0x19000] =	vst v63  }
0x90: {  	s24 =	rddreg [dreg:$0x13]  }
0x91: {  	[tilespmem:s24], [sflag:$0x2] =	stream.indirect_vreg.gather [hbm4b:s7+s3], $0x80, v3, vm0, $0xb8;
	[tilespmem:$0x19000] =	vst v63  }
0x92: {  	v3 =	vld.msk [tilespmem:s8+$0x0], $0xff;
	_ =	sdelay $0x4  }
0x93: {  	v60 =	vshll.u32 v3, $0x3  }
0x94: {  	v3 =	vand.u32 $0x7, v3;
	v4 =	vand.u32 $0xFFFFFFC0, v60  }
0x95: {  	v3 =	vor.u32 v3, v4  }
0x96: {  	v3 =	vperm.xlane v3, v0;
	_ =	sdelay $0x1  }
0x97: {  	v3 =	vadd.s32 v1, v3;
	_ =	sdelay $0x3  }
0x98: {  	s14 =	rddreg [dreg:$0x14]  }
0x99: {  	[tilespmem:s14], [sflag:$0x2] =	stream.indirect_vreg.gather [hbm4b:s2+s3], $0x80, v3, vm0, $0xb8;
	[tilespmem:$0x19000] =	vst v63  }
0x9a: {  	s24 =	rddreg [dreg:$0x15]  }
0x9b: {  	[tilespmem:s24], [sflag:$0x2] =	stream.indirect_vreg.gather [hbm4b:s5+s3], $0x80, v3, vm0, $0xb8;
	[tilespmem:$0x19000] =	vst v63  }
0x9c: {  	s13 =	rddreg [dreg:$0x16]  }
0x9d: {  	[tilespmem:s13], [sflag:$0x2] =	stream.indirect_vreg.gather [hbm4b:s6+s3], $0x80, v3, vm0, $0xb8;
	[tilespmem:$0x19000] =	vst v63  }
0x9e: {  	s24 =	rddreg [dreg:$0x17]  }
0x9f: {  	[tilespmem:s24], [sflag:$0x2] =	stream.indirect_vreg.gather [hbm4b:s7+s3], $0x80, v3, vm0, $0xb8;
	[tilespmem:$0x19000] =	vst v63  }
0xa0: {  	_ =	swait.ge [sflag:s0], $0xA000  }
0xa1: {  	[sflag:s0] =	ssyncset.done $0x0  }
0xa2: {  	s12 =	sadd.s32 $0x1400, s12;
	[sflag:s0] =	ssyncadd.s32 $0xFFFF6000  }
0xa3: {  	[hbm4b:s12+s3] =	stream.linear.scatter [tilespmem:s1], [sflag:$0x4], $0xA000, $0x38;
	[tilespmem:$0x19000] =	vst v63  }
0xa4: {  	_ =	swait.ge [sflag:s4], $0xA000  }
0xa5: {  	s24 =	smin.u32 s9, $0x9D;
	[sflag:s4] =	ssyncset.done $0x0  }
0xa6: {  	s12 =	sshll.u32 s24, $0x7;
	[sflag:s4] =	ssyncadd.s32 $0xFFFF6000  }
0xa7: {  	v3 =	vld [tilespmem:s12+$0x100];
	_ =	sdelay $0x4  }
0xa8: {  	v61 =	vshll.u32 v3, $0x3  }
0xa9: {  	v3 =	vand.u32 $0x7, v3;
	v4 =	vand.u32 $0xFFFFFFC0, v61  }
0xaa: {  	v3 =	vor.u32 v3, v4  }
0xab: {  	v4 =	vperm.xlane v3, v0;
	_ =	sdelay $0x1  }
0xac: {  	v4 =	vadd.s32 v1, v4;
	_ =	sdelay $0x4  }
0xad: {  	[tilespmem:s10], [sflag:$0x1] =	stream.indirect_vreg.gather [hbm4b:s2+s3], $0x80, v4, vm0, $0xb8;
	[tilespmem:$0x19000] =	vst v63  }
0xae: {  	s13 =	simm.s32 $0x5800;
	v3 =	vperm.xlane v3, v2  }
0xaf: {  	[tilespmem:s13], [sflag:$0x1] =	stream.indirect_vreg.gather [hbm4b:s5+s3], $0x80, v4, vm0, $0xb8;
	[tilespmem:$0x19000] =	vst v63  }
0xb0: {  	s14 =	simm.s32 $0x6000;
	v3 =	vadd.s32 v1, v3  }
0xb1: {  	[tilespmem:s14], [sflag:$0x1] =	stream.indirect_vreg.gather [hbm4b:s6+s3], $0x80, v4, vm0, $0xb8;
	[tilespmem:$0x19000] =	vst v63  }
0xb2: {  	_ = 	snop  }
0xb3: {  	[tilespmem:s15], [sflag:$0x1] =	stream.indirect_vreg.gather [hbm4b:s7+s3], $0x80, v4, vm0, $0xb8;
	[tilespmem:$0x19000] =	vst v63  }
0xb4: {  	_ = 	snop  }
0xb5: {  	[tilespmem:s16], [sflag:$0x1] =	stream.indirect_vreg.gather [hbm4b:s2+s3], $0x80, v3, vm0, $0xb8;
	[tilespmem:$0x19000] =	vst v63  }
0xb6: {  	_ = 	snop  }
0xb7: {  	[tilespmem:s17], [sflag:$0x1] =	stream.indirect_vreg.gather [hbm4b:s5+s3], $0x80, v3, vm0, $0xb8;
	[tilespmem:$0x19000] =	vst v63  }
0xb8: {  	s24 =	simm.s32 $0x8000  }
0xb9: {  	[tilespmem:s24], [sflag:$0x1] =	stream.indirect_vreg.gather [hbm4b:s6+s3], $0x80, v3, vm0, $0xb8;
	[tilespmem:$0x19000] =	vst v63  }
0xba: {  	_ = 	snop  }
0xbb: {  	[tilespmem:s19], [sflag:$0x1] =	stream.indirect_vreg.gather [hbm4b:s7+s3], $0x80, v3, vm0, $0xb8;
	[tilespmem:$0x19000] =	vst v63  }
0xbc: {  	v3 =	vld [tilespmem:s12+$0x110];
	_ =	sdelay $0x4  }
0xbd: {  	v62 =	vshll.u32 v3, $0x3  }
0xbe: {  	v3 =	vand.u32 $0x7, v3;
	v4 =	vand.u32 $0xFFFFFFC0, v62  }
0xbf: {  	v3 =	vor.u32 v3, v4  }
0xc0: {  	v4 =	vperm.xlane v3, v0;
	_ =	sdelay $0x1  }
0xc1: {  	v4 =	vadd.s32 v1, v4;
	_ =	sdelay $0x4  }
0xc2: {  	[tilespmem:s20], [sflag:$0x1] =	stream.indirect_vreg.gather [hbm4b:s2+s3], $0x80, v4, vm0, $0xb8;
	[tilespmem:$0x19000] =	vst v63  }
0xc3: {  	v3 =	vperm.xlane v3, v2  }
0xc4: {  	[tilespmem:s21], [sflag:$0x1] =	stream.indirect_vreg.gather [hbm4b:s5+s3], $0x80, v4, vm0, $0xb8;
	[tilespmem:$0x19000] =	vst v63  }
0xc5: {  	v3 =	vadd.s32 v1, v3  }
0xc6: {  	[tilespmem:s22], [sflag:$0x1] =	stream.indirect_vreg.gather [hbm4b:s6+s3], $0x80, v4, vm0, $0xb8;
	[tilespmem:$0x19000] =	vst v63  }
0xc7: {  	_ = 	snop  }
0xc8: {  	[tilespmem:s23], [sflag:$0x1] =	stream.indirect_vreg.gather [hbm4b:s7+s3], $0x80, v4, vm0, $0xb8;
	[tilespmem:$0x19000] =	vst v63  }
0xc9: {  	s24 =	simm.s32 $0xB000  }
0xca: {  	[tilespmem:s24], [sflag:$0x1] =	stream.indirect_vreg.gather [hbm4b:s2+s3], $0x80, v3, vm0, $0xb8;
	[tilespmem:$0x19000] =	vst v63  }
0xcb: {  	_ = 	snop  }
0xcc: {  	[tilespmem:s25], [sflag:$0x1] =	stream.indirect_vreg.gather [hbm4b:s5+s3], $0x80, v3, vm0, $0xb8;
	[tilespmem:$0x19000] =	vst v63  }
0xcd: {  	_ = 	snop  }
0xce: {  	[tilespmem:s26], [sflag:$0x1] =	stream.indirect_vreg.gather [hbm4b:s6+s3], $0x80, v3, vm0, $0xb8;
	[tilespmem:$0x19000] =	vst v63  }
0xcf: {  	_ = 	snop  }
0xd0: {  	[tilespmem:s28], [sflag:$0x1] =	stream.indirect_vreg.gather [hbm4b:s7+s3], $0x80, v3, vm0, $0xb8;
	[tilespmem:$0x19000] =	vst v63  }
0xd1: {  	v3 =	vld.msk [tilespmem:s12+$0x120], $0xff;
	_ =	sdelay $0x4  }
0xd2: {  	v63 =	vshll.u32 v3, $0x3  }
0xd3: {  	v3 =	vand.u32 $0x7, v3;
	v4 =	vand.u32 $0xFFFFFFC0, v63  }
0xd4: {  	v3 =	vor.u32 v3, v4  }
0xd5: {  	v3 =	vperm.xlane v3, v0;
	_ =	sdelay $0x1  }
0xd6: {  	v3 =	vadd.s32 v1, v3;
	_ =	sdelay $0x3  }
0xd7: {  	s11 =	sadd.s32 $0x2800, s11  }
0xd8: {  	[tilespmem:s29], [sflag:$0x1] =	stream.indirect_vreg.gather [hbm4b:s2+s3], $0x80, v3, vm0, $0xb8;
	[tilespmem:$0x19000] =	vst v63  }
0xd9: {  	p0 =	sne.s32 s11, $0xC8000  }
0xda: {  	[tilespmem:s30], [sflag:$0x1] =	stream.indirect_vreg.gather [hbm4b:s5+s3], $0x80, v3, vm0, $0xb8;
	[tilespmem:$0x19000] =	vst v63  }
.Ltmp0:
0xdb: {  	_ = 	snop;
	(pc) =	sbr.rel @p0 .LBB2_2-.Ltmp0, $4  }
0xdc: {  	s24 =	simm.s32 $0xE000  }
0xdd: {  	[tilespmem:s24], [sflag:$0x1] =	stream.indirect_vreg.gather [hbm4b:s6+s3], $0x80, v3, vm0, $0xb8;
	[tilespmem:$0x19000] =	vst v63  }
0xde: {  	s8 =	sadd.s32 $0x100, s8;
	s9 =	sadd.s32 $0x2, s9  }
0xdf: {  	[tilespmem:s18], [sflag:$0x1] =	stream.indirect_vreg.gather [hbm4b:s7+s3], $0x80, v3, vm0, $0xb8;
	[tilespmem:$0x19000] =	vst v63  }
0xe0: {  	_ =	swait.ge [sflag:s31], $0xA000  }
0xe1: {  	[sflag:s31] =	ssyncset.done $0x0  }
0xe2: {  	s9 =	simm.s32 $0x4;
	[sflag:s31] =	ssyncadd.s32 $0xFFFF6000  }
0xe3: {  	_ =	swait.ge [sflag:s9], $0xA000  }
0xe4: {  	s11 =	simm.s32 $0x7000;
	s12 =	simm.s32 $0x7800;
	s30 =	rddreg [dreg:$0x1a]  }
0xe5: {  	s15 =	simm.s32 $0x8000;
	s8 =	rddreg [dreg:$0x19];
	s30 =	sadd.s32 $0x1, s30  }
0xe6: {  	s16 =	simm.s32 $0x8800;
	s17 =	simm.s32 $0x9000;
	p0 =	sne.s32 s30, s8  }
.Ltmp1:
0xe7: {  	s18 =	simm.s32 $0x9800;
	s19 =	simm.s32 $0xA000;
	(pc) =	sbr.rel @p0 .LBB2_1-.Ltmp1, $4  }
0xe8: {  	s20 =	simm.s32 $0xA800;
	s21 =	simm.s32 $0xB000;
	s22 =	simm.s32 $0xB800  }
0xe9: {  	s23 =	simm.s32 $0xC000;
	s24 =	simm.s32 $0xC800;
	s25 =	simm.s32 $0xD000  }
0xea: {  	s26 =	simm.s32 $0xD800;
	s28 =	simm.s32 $0xE000;
	[sflag:s9] =	ssyncset.done $0x0  }
0xeb: {  	s29 =	simm.s32 $0xE800;
	[sflag:s9] =	ssyncadd.s32 $0xFFFF6000;
	s9 =	simm.s32 $0x6800  }
0xec: {  	_ =	sfence.sel $0x180000  }
0xed: {  	[bflag:$0x0] =	sbarrier.arrive $0xFFFF  }
0xee: {  	_ =	strace $0x90000047  }
0xef: {  	s0 =	stileid.u32;
	[bflag:$0x2] =	sbarrier.arrive $0xFFFF  }
0xf0: {  	p0 =	sne.s32 s0, $0x0;
	s0 =	rddreg [dreg:$0x3]  }
0xf1: {  	s0 =	sadd.s32 @!p0 $0x100000, s0  }
0xf2: {  	[sflag:s0] =	ssyncadd.tile.s32 @!p0 $0x1;
	_ =	shalt  }
.Lfunc_end2:
_tile_overlayer_lowered:
.L_overlay_start_2:
0xf3: {  	(tag) =	ssettag $0x2  }
0xf4: {  	s0 =	rddreg [dreg:$0x0];
	s2 =	stileid.u32  }
0xf5: {  	s1 =	rddreg [dreg:$0x1];
	p0 =	sne.s32 s2, $0x0  }
0xf6: {  	s3 =	rddreg [dreg:$0x2];
	[bflag:$0x3] =	sbarrier.arrive $0xFFFF;
	s2 =	simm.s32 @!p0 $0x1C05  }
0xf7: {  	[timem:s3], [sflag:s2] =	dma.local @!p0 [hbm:s0], s1  }
0xf8: {  	s0 =	simm.s32 @!p0 $0x5  }
0xf9: {  	_ =	swait.ge @!p0 [sflag:s0], s1  }
0xfa: {  	s1 =	ssub.s32 @!p0 $0x0, s1;
	[sflag:s0] =	ssyncset.done @!p0 $0x0  }
0xfb: {  	[sflag:s0] =	ssyncadd.s32 @!p0 s1  }
0xfc: {  	[bflag:$0x3] =	sbarrier.arrive $0xFFFF  }
0xfd: {  	_ =	shalt  }

// kernel: sparse-core-data-format-call.cloned.1.call-start
scs
called_computation_lowered:
.L_overlay_start_0:
0x0: {  	s2 =	sld [smem:$0x3FD9]  }
0x1: {  	s3 =	sld [smem:$0x3FFE];
	_ =	sdelay $0x1  }
0x2: {  	s1 =	srdreg.scid  }
0x3: {  	s0 =	sand.u32 $0x1, s1  }
0x4: {  	s18 =	sshll.u32 s0, $0xA;
	s2 =	sadd.s32 s3, s2  }
0x5: {  	s2 =	sadd.s32 s2, s18  }
0x6: {  	[smem:$0x3FC6] =	sst s2  }
0x7: {  	_ = 	snop  }
0x8: {  	s2 =	sld [smem:$0x3FD0];
	(tm) =	ssettm $0x1  }
0x9: {  	s19 =	sld [smem:$0x3FFB];
	_ =	sdelay $0x3  }
0xa: {  	_ =	strace s19  }
0xb: {  	s3 =	sld [smem:$0x3FFC];
	_ =	sdelay $0x3  }
0xc: {  	_ =	strace s3  }
0xd: {  	s3 =	sld [smem:$0x3FFD];
	_ =	sdelay $0x3  }
0xe: {  	_ =	strace s3  }
0xf: {  	_ =	strace $0x8FFFFFFF  }
0x10: {  	s20 =	sld [smem:$0x3FDB];
	_ =	sdelay $0x1  }
0x11: {  	s4 =	simm.s32 $_scs_section_size  }
0x12: {  	s5 =	simm.s32 $_size__tile_overlayer_lowered;
	s6 =	simm.s32 $_tile_overlayer_lowered  }
0x13: {  	s23 =	simm.s32 $0x1BFF;
	s22 =	sshll.u32 s6, $0x1;
	s3 =	sadd.s32 s4, s20  }
0x14: {  	s7 =	simm.s32 $0x0;
	s21 =	sshll.u32 s5, $0x1;
	s5 =	sadd.s32 s22, s3  }
0x15: {  	[timem:s7], [sflag:s23] =	dma.local [hbm:s5], s21  }
0x16: {  	_ =	swait.ge [sflag:s23], s21  }
0x17: {  	s4 =	ssub.s32 $0x0, s21;
	[sflag:s23] =	ssyncset.done $0x0  }
0x18: {  	[sflag:s23] =	ssyncadd.s32 s4;
	_ =	sdelay $0x1  }
0x19: {  	s24 =	simm.s32 $0x1B8B  }
0x1a: {  	_ =	swait.ge [sflag:s24], $0x1  }
0x1b: {  	[sflag:s24] =	ssyncset.done $0x0  }
0x1c: {  	s26 =	simm.s32 $0x1B8E;
	s25 =	sld [smem:$0x3FFE];
	[sflag:s24] =	ssyncadd.s32 $0xFFFFFFFF  }
0x1d: {  	s27 =	simm.s32 $execute0_lowered;
	[smem:$0x3FD2] =	sst s26  }
0x1e: {  	s5 =	sshll.u32 s27, $0x1;
	_ =	strace $0x80000049;
	[dreg:$0x1] =	wrdreg $0xFFFFFFFF  }
0x1f: {  	s28 =	simm.s32 $_size_execute0_lowered;
	s3 =	sadd.s32 s3, s5;
	[dreg:$0x0] =	wrdreg $0x0  }
0x20: {  	s5 =	sshll.u32 s28, $0x1;
	[dreg:$0x2] =	wrdreg s3  }
0x21: {  	[dreg:$0x3] =	wrdreg s5  }
0x22: {  	[dreg:$0x4] =	wrdreg $0xC0  }
0x23: {  	_ =	task [dreg:s7], $0x5FFFF  }
0x24: {  	[dreg:$0x1] =	wrdreg $0xFFFFFFFF  }
0x25: {  	[dreg:$0x0] =	wrdreg $0x60  }
0x26: {  	[dreg:$0x2] =	wrdreg s25  }
0x27: {  	[dreg:$0x3] =	wrdreg s2  }
0x28: {  	[dreg:$0x4] =	wrdreg $0x9  }
0x29: {  	_ =	task.clear_ibuf [dreg:s7], $0x5FFFF;
	_ =	strace $0x90000049  }
0x2a: {  	s29 =	simm.s32 $0x9;
	_ =	strace $0x8000004B  }
0x2b: {  	_ =	swait.ge [sflag:s29], $0x1  }
0x2c: {  	[sflag:s29] =	ssyncadd.s32 $0xFFFFFFFF  }
0x2d: {  	_ =	strace $0x9000004B  }
0x2e: {  	_ =	sfence  }
0x2f: {  	s30 =	sld [smem:$0x0];
	_ =	sdelay $0x2  }
0x30: {  	s31 =	sshll.u32 s1, $0xD;
	s1 =	sshrl.u32 s1, $0x2  }
0x31: {  	s3 =	sand.u32 $0x4000, s31;
	s1 =	sadd.s32 s1, s30  }
0x32: {  	s0 =	sor.u32 s3, s0;
	s1 =	sshll.u32 s1, $0x11  }
0x33: {  	s0 =	sor.u32 s1, s0  }
0x34: {  	s0 =	sadd.s32 $0x8F2B, s0  }
0x35: {  	[sflag:s0] =	ssyncadd.remote.s32 $0x1  }
0x36: {  	_ =	sfence.sel $0xFFFF  }
0x37: {  	[dreg:$0x0] =	wrdreg $0xFFFFFFFF;
	(pc) =	sbr.abs _section_cstart, $3  }
0x38: {  	[dreg:$0x1] =	wrdreg $0xFFFFFFFF  }
0x39: {  	_ =	task.clear_ibuf [dreg:s7], $0x2FFFF;
	_ =	strace $0x9FFFFFFF  }
0x3a: {  	(tm) =	ssettm $0x7FFFFFFF  }
0x3b: {  	_ =	shalt  }
tec
execute0_lowered:
.L_overlay_start_1:
0x0: {  	(tag) =	ssettag $0x1  }
0x1: {  	s0 =	srdreg.scid  }
0x2: {  	s1 =	sshll.u32 s0, $0x4  }
0x3: {  	s6 =	rddreg [dreg:$0x0];
	s0 =	stileid.u32;
	s1 =	sand.u32 $0x10, s1  }
0x4: {  	s3 =	rddreg [dreg:$0x1];
	s1 =	sor.u32 s0, s1  }
0x5: {  	s5 =	simm.s32 $0x1;
	s31 =	simm.s32 $0x2;
	s2 =	sshll.u32 s1, $0x7  }
0x6: {  	s14 =	simm.s32 $0x0;
	s8 =	simm.s32 $0x2000;
	s4 =	ssub.s32 $0x1000, s2  }
0x7: {  	s9 =	simm.s32 $0x0;
	s15 =	simm.s32 $0x0;
	s30 =	sand.u32 $0xF80, s4  }
0x8: {  	s16 =	simm.s32 $0x0;
	s10 =	simm.s32 $0x0;
	p0 =	sne.s32 s30, $0x0  }
.Ltmp0:
0x9: {  	s7 =	sshrl.u32 s4, $0xC;
	s5 =	simm.s32 @!p0 $0x0;
	(pc) =	sbr.rel .LBB1_1-.Ltmp0, $4  }
0xa: {  	s11 =	simm.s32 $0x0;
	s1 =	rddreg [dreg:$0x2];
	s5 =	sadd.s32 s5, s7  }
0xb: {  	_ =	strace $0x8000004A;
	s4 =	simm.s32 $0x1;
	s5 =	smul.u32 $0x190, s5  }
0xc: {  	s13 =	simm.s32 $0x0;
	s6 =	sadd.s32 $0x800, s6;
	[sflag:s4] =	ssyncpa.u1 $0x0  }
0xd: {  	s12 =	smov.u32 s2;
	[sflag:s31] =	ssyncpa.u1 $0x0;
	s7 =	sor.u32 $0x1, s5  }
.LBB1_4:
0xe: {  	_ =	sdelay $0x3  }
0xf: {  	[tilespmem:v0+s19+$0xFFFFFFD0 ss:$0x1] =	vst.idx.msk $0xffff, v6  }
0x10: {  	v56 =	vld.idx.msk [tilespmem:v1+s18+$0x0 ss:$0x1], $0xffff;
	[tilespmem:v0+s19+$0xFFFFFFE0 ss:$0x1] =	vst.idx.msk $0xffff, v4  }
0x11: {  	v57 =	vld.idx.msk [tilespmem:v1+s18+$0xFFFFFF90 ss:$0x1], $0xffff;
	[tilespmem:v0+s19+$0xFFFFFFF0 ss:$0x1] =	vst.idx.msk $0xffff, v2  }
0x12: {  	v58 =	vld.idx.msk [tilespmem:v1+s18+$0xFFFFFFA0 ss:$0x1], $0xffff;
	[tilespmem:v0+s19+$0x0 ss:$0x1] =	vst.idx.msk $0xffff, v3  }
0x13: {  	v59 =	vld.idx.msk [tilespmem:v1+s18+$0xFFFFFFB0 ss:$0x1], $0xffff;
	[tilespmem:v0+s19+$0x10 ss:$0x1] =	vst.idx.msk $0xffff, v5  }
0x14: {  	v60 =	vld.idx.msk [tilespmem:v1+s18+$0xFFFFFFC0 ss:$0x1], $0xffff;
	[tilespmem:v0+s19+$0x20 ss:$0x1] =	vst.idx.msk $0xffff, v7  }
0x15: {  	v61 =	vld.idx.msk [tilespmem:v1+s18+$0xFFFFFFD0 ss:$0x1], $0xffff;
	[tilespmem:v0+s18+$0x30 ss:$0x1] =	vst.idx.msk $0xffff, v56  }
0x16: {  	v62 =	vld.idx.msk [tilespmem:v1+s18+$0xFFFFFFE0 ss:$0x1], $0xffff;
	[tilespmem:v0+s18+$0xFFFFFFC0 ss:$0x1] =	vst.idx.msk $0xffff, v57  }
0x17: {  	v63 =	vld.idx.msk [tilespmem:v1+s18+$0xFFFFFFF0 ss:$0x1], $0xffff;
	s16 =	sshll.u32 s16, $0x7;
	[tilespmem:v0+s18+$0xFFFFFFD0 ss:$0x1] =	vst.idx.msk $0xffff, v58  }
0x18: {  	s30 =	sand.u32 $0x78, s14;
	s15 =	sshll.u32 s15, $0x13;
	s20 =	sand.u32 $0x380, s16;
	[tilespmem:v0+s18+$0xFFFFFFE0 ss:$0x1] =	vst.idx.msk $0xffff, v59  }
0x19: {  	s31 =	sand.u32 $0x7, s14;
	s16 =	sand.u32 $0x7FC00, s16;
	s19 =	sor.u32 s20, s30;
	[tilespmem:v0+s18+$0xFFFFFFF0 ss:$0x1] =	vst.idx.msk $0xffff, v60  }
0x1a: {  	s15 =	sadd.s32 s3, s15;
	s16 =	sadd.s32 s14, s16;
	s19 =	sshrl.u32 s19, $0x3;
	[tilespmem:v0+s18+$0x0 ss:$0x1] =	vst.idx.msk $0xffff, v61  }
0x1b: {  	s14 =	sshll.u32 s31, $0x12;
	s16 =	sand.u32 $0x7FF80, s16;
	s15 =	sadd.s32 s19, s15;
	[tilespmem:v0+s18+$0x10 ss:$0x1] =	vst.idx.msk $0xffff, v62  }
0x1c: {  	s14 =	sor.u32 $0x400, s14;
	[tilespmem:v0+s18+$0x20 ss:$0x1] =	vst.idx.msk $0xffff, v63;
	s15 =	sadd.s32 s16, s15  }
0x1d: {  	[hbm4b:s15+s14] =	stream.strided.scatter [tilespmem:s17], [sflag:$0x2], $0x4000, s8, s14, $0x38;
	[tilespmem:$0x10000] =	vst v63  }
.LBB1_5:
0x1e: {  	s17 =	sadd.s32 $0x80, s10  }
0x1f: {  	s14 =	simm.s32 $0x1;
	p1 =	sgt.s32 s17, $0x3FF  }
0x20: {  	s14 =	simm.s32 @!p1 $0x0  }
0x21: {  	s18 =	sadd.s32 s14, s11  }
0x22: {  	s20 =	smov.u32 s12;
	s14 =	sadd.s32 $0x1000, s12;
	p2 =	sgt.s32 s18, $0x31  }
0x23: {  	s20 =	smov.u32 @p2 s14  }
0x24: {  	p0 =	slt.u32 s13, $0x2;
	s17 =	simm.s32 @p1 $0x0;
	p1 =	sgt.s32 s20, $0xFFF  }
0x25: {  	s19 =	simm.s32 @!p0 $0x2;
	s20 =	smov.u32 @p1 s2;
	p1 =	sne.s32 s13, s7  }
.Ltmp1:
0x26: {  	_ =	swait.ge @!p0 [sflag:s19], $0x4000;
	(pc) =	sbr.rel @!p1 .LBB1_6-.Ltmp1, $4  }
0x27: {  	s15 =	smov.u32 s11;
	[sflag:s19] =	ssyncset.done @!p0 $0x0  }
0x28: {  	s16 =	smov.u32 s12;
	s9 =	sadd.s32 $0x4000, s9;
	[sflag:s19] =	ssyncadd.s32 @!p0 $0xFFFFC000  }
0x29: {  	s18 =	simm.s32 @p2 $0x0;
	s14 =	smov.u32 s10;
	s10 =	smov.u32 s17  }
0x2a: {  	s11 =	smov.u32 s18;
	s13 =	sadd.s32 $0x1, s13;
	s12 =	smov.u32 s20  }
.LBB1_1:
0x2b: {  	p0 =	sge.u32 s13, s5  }
0x2c: {  	s17 =	sshll.u32 @!p0 s11, $0xA  }
0x2d: {  	s18 =	sshll.u32 @!p0 s10, $0x3;
	s17 =	sand.u32 @!p0 $0xFFFFE000, s17  }
0x2e: {  	s17 =	sadd.s32 @!p0 s17, s18  }
0x2f: {  	s17 =	sshrl.u32 @!p0 s17, $0xA  }
0x30: {  	s18 =	smulhi.u32 @!p0 $0x4924925, s17  }
0x31: {  	s19 =	sshll.u32 @!p0 s11, $0x7;
	s21 =	smul.u32 @!p0 $0x1C00, s12  }
0x32: {  	s20 =	sand.u32 @!p0 $0x78, s10;
	s19 =	sand.u32 @!p0 $0x380, s19;
	s18 =	smul.u32 @!p0 $0x38, s18  }
0x33: {  	s31 =	sadd.s32 $0xFFFFFFFF, s13;
	s19 =	sor.u32 @!p0 s20, s19;
	s20 =	sadd.s32 @!p0 s6, s21  }
0x34: {  	s19 =	sshrl.u32 @!p0 s19, $0x3;
	s17 =	ssub.s32 @!p0 s17, s18;
	s18 =	sxor.u32 @!p0 $0xFFFFFFFF, s13  }
0x35: {  	s19 =	sadd.s32 @!p0 s19, s20;
	s20 =	sand.u32 @!p0 $0x7, s10;
	s18 =	sshll.u32 @!p0 s18, $0xE  }
0x36: {  	s20 =	sshll.u32 @!p0 s20, $0x12;
	s17 =	sshll.u32 @!p0 s17, $0x7;
	s18 =	sand.u32 @!p0 $0x4000, s18  }
0x37: {  	s17 =	sadd.s32 @!p0 s17, s19;
	s19 =	sor.u32 @!p0 $0x80, s20;
	s20 =	simm.s32 @!p0 $0xE000  }
0x38: {  	[tilespmem:s18], [sflag:$0x1] =	stream.strided.gather @!p0 [hbm4b:s17+s19], $0x4000, s20, s19, $0x38;
	[tilespmem:$0x10000] =	vst v63  }
0x39: {  	p0 =	sge.u32 s31, s5  }
.Ltmp2:
0x3a: {  	_ = 	snop;
	(pc) =	sbr.rel @p0 .LBB1_5-.Ltmp2, $1  }
0x3b: {  	_ =	sdelay $0x3  }
0x3c: {  	s17 =	sand.u32 $0x4000, s9  }
0x3d: {  	s18 =	sor.u32 $0x70, s17  }
0x3e: {  	v1 =	vmov s18;
	_ =	sdelay $0x1  }
0x3f: {  	_ =	swait.ge [sflag:s4], $0x4000  }
0x40: {  	[sflag:s4] =	ssyncset.done $0x0  }
0x41: {  	s19 =	simm.s32 $0x0;
	[sflag:s4] =	ssyncadd.s32 $0xFFFFC000  }
0x42: {  	s17 =	sor.u32 $0x8040, s17;
	v7 =	vld.idx.msk [tilespmem:v1+s19+$0x0 ss:$0x1], $0xffff  }
0x43: {  	v0 =	vmov s17;
	v8 =	vld.idx.msk [tilespmem:v1+s19+$0xFFFFFF90 ss:$0x1], $0xffff  }
0x44: {  	v6 =	vld.idx.msk [tilespmem:v1+s19+$0xFFFFFFA0 ss:$0x1], $0xffff  }
0x45: {  	v4 =	vld.idx.msk [tilespmem:v1+s19+$0xFFFFFFB0 ss:$0x1], $0xffff  }
0x46: {  	v2 =	vld.idx.msk [tilespmem:v1+s19+$0xFFFFFFC0 ss:$0x1], $0xffff  }
0x47: {  	s31 =	sshll.u32 s13, $0xE;
	v3 =	vld.idx.msk [tilespmem:v1+s19+$0xFFFFFFD0 ss:$0x1], $0xffff  }
0x48: {  	s17 =	sand.u32 $0x4000, s31;
	v5 =	vld.idx.msk [tilespmem:v1+s19+$0xFFFFFFE0 ss:$0x1], $0xffff;
	[tilespmem:v0+s19+$0x30 ss:$0x1] =	vst.idx.msk $0xffff, v7  }
0x49: {  	s20 =	simm.s32 $0x400;
	s18 =	simm.s32 $0x80;
	s17 =	sor.u32 $0x8000, s17;
	[tilespmem:v0+s19+$0xFFFFFFC0 ss:$0x1] =	vst.idx.msk $0xffff, v8;
	v7 =	vld.idx.msk [tilespmem:v1+s19+$0xFFFFFFF0 ss:$0x1], $0xffff  }
.LBB1_3:
0x4a: {  	p0 =	sne.s32 s20, $0xFE00;
	v8 =	vld.idx.msk [tilespmem:v1+s18+$0x0 ss:$0x1], $0xffff;
	[tilespmem:v0+s19+$0xFFFFFFD0 ss:$0x1] =	vst.idx.msk $0xffff, v6  }
0x4b: {  	v9 =	vld.idx.msk [tilespmem:v1+s18+$0xFFFFFF90 ss:$0x1], $0xffff;
	[tilespmem:v0+s19+$0xFFFFFFE0 ss:$0x1] =	vst.idx.msk $0xffff, v4  }
0x4c: {  	v6 =	vld.idx.msk [tilespmem:v1+s18+$0xFFFFFFA0 ss:$0x1], $0xffff;
	[tilespmem:v0+s19+$0xFFFFFFF0 ss:$0x1] =	vst.idx.msk $0xffff, v2  }
.Ltmp3:
0x4d: {  	v4 =	vld.idx.msk [tilespmem:v1+s18+$0xFFFFFFB0 ss:$0x1], $0xffff;
	[tilespmem:v0+s19+$0x0 ss:$0x1] =	vst.idx.msk $0xffff, v3;
	(pc) =	sbr.rel @p0 .LBB1_3-.Ltmp3, $4  }
0x4e: {  	v2 =	vld.idx.msk [tilespmem:v1+s18+$0xFFFFFFC0 ss:$0x1], $0xffff;
	[tilespmem:v0+s19+$0x10 ss:$0x1] =	vst.idx.msk $0xffff, v5  }
0x4f: {  	v3 =	vld.idx.msk [tilespmem:v1+s18+$0xFFFFFFD0 ss:$0x1], $0xffff;
	[tilespmem:v0+s19+$0x20 ss:$0x1] =	vst.idx.msk $0xffff, v7;
	s19 =	smov.u32 s18  }
0x50: {  	v5 =	vld.idx.msk [tilespmem:v1+s19+$0xFFFFFFE0 ss:$0x1], $0xffff;
	[tilespmem:v0+s19+$0x30 ss:$0x1] =	vst.idx.msk $0xffff, v8  }
0x51: {  	s18 =	sshra.s32 s20, $0x2;
	s20 =	sadd.s32 $0x200, s20;
	[tilespmem:v0+s19+$0xFFFFFFC0 ss:$0x1] =	vst.idx.msk $0xffff, v9;
	v7 =	vld.idx.msk [tilespmem:v1+s19+$0xFFFFFFF0 ss:$0x1], $0xffff  }
.Ltmp4:
0x52: {  	_ = 	snop;
	(pc) =	sbr.rel .LBB1_4-.Ltmp4, $1  }
0x53: {  	_ =	sdelay $0x3  }
.LBB1_6:
0x54: {  	_ =	sfence.sel $0x180000  }
0x55: {  	s2 =	simm.s32 $0x1;
	[bflag:$0x0] =	sbarrier.arrive $0xFFFF  }
0x56: {  	s31 =	simm.s32 $0x2;
	[sflag:s2] =	ssyncpa.u1 $0x1  }
0x57: {  	[sflag:s31] =	ssyncpa.u1 $0x1  }
0x58: {  	p0 =	sne.s32 s0, $0x0;
	_ =	strace $0x9000004A  }
0x59: {  	s0 =	sadd.s32 @!p0 $0x100000, s1;
	[bflag:$0x2] =	sbarrier.arrive $0xFFFF  }
0x5a: {  	[sflag:s0] =	ssyncadd.tile.s32 @!p0 $0x1;
	_ =	shalt  }
.Lfunc_end1:
_tile_overlayer_lowered:
.L_overlay_start_2:
0x5b: {  	(tag) =	ssettag $0x2  }
0x5c: {  	s0 =	rddreg [dreg:$0x0];
	s2 =	stileid.u32  }
0x5d: {  	s1 =	rddreg [dreg:$0x1];
	p0 =	sne.s32 s2, $0x0  }
0x5e: {  	s3 =	rddreg [dreg:$0x2];
	[bflag:$0x3] =	sbarrier.arrive $0xFFFF;
	s2 =	simm.s32 @!p0 $0x1C01  }
0x5f: {  	[timem:s3], [sflag:s2] =	dma.local @!p0 [hbm:s0], s1  }
0x60: {  	s0 =	simm.s32 @!p0 $0x1  }
0x61: {  	_ =	swait.ge @!p0 [sflag:s0], s1  }
0x62: {  	s1 =	ssub.s32 @!p0 $0x0, s1;
	[sflag:s0] =	ssyncset.done @!p0 $0x0  }
0x63: {  	[sflag:s0] =	ssyncadd.s32 @!p0 s1  }
0x64: {  	[bflag:$0x3] =	sbarrier.arrive $0xFFFF  }
0x65: {  	_ =	shalt  }

</sc_bundles>
